<compile_context>
chip_gen: v7x
topology: tpu7x:2x2x1
jax: 0.10.2.dev20260603
libtpu: 0.0.44.dev20260713+nightly
codegen_flags: <defaults>
</compile_context>

<pallas_src>
import functools

import jax
import jax.numpy as jnp
import numpy as np
from jax import lax
from jax.experimental import pallas as pl
from jax.experimental.pallas import tpu as pltpu



def _fps_body(xyz_ref, inds_ref, newx_ref, dists_ref, *, npoint, n):
    n8 = n // 8
    x = xyz_ref[0, 0, :, :]
    y = xyz_ref[0, 1, :, :]
    z = xyz_ref[0, 2, :, :]
    jgrid = (lax.broadcasted_iota(jnp.int32, (8, n8), 0) * n8
             + lax.broadcasted_iota(jnp.int32, (8, n8), 1))
    dists_ref[:, :] = jnp.full((8, n8), 1e10, dtype=jnp.float32)

    def body(i, farthest):
        fsel = jgrid == farthest
        fx = jnp.sum(jnp.where(fsel, x, 0.0))
        fy = jnp.sum(jnp.where(fsel, y, 0.0))
        fz = jnp.sum(jnp.where(fsel, z, 0.0))
        inds_ref[0, 0, i] = farthest
        newx_ref[0, 0, i] = fx
        newx_ref[0, 1, i] = fy
        newx_ref[0, 2, i] = fz
        dx = x - fx
        dy = y - fy
        dz = z - fz
        d = dx * dx + dy * dy + dz * dz
        dn = jnp.minimum(dists_ref[:, :], d)
        dists_ref[:, :] = dn
        m = jnp.max(dn)
        fnew = jnp.min(jnp.where(dn == m, jgrid, n)).astype(jnp.int32)
        return fnew

    lax.fori_loop(0, npoint, body, jnp.int32(0))


def _fps_pallas(xyzT, npoint):
    B, _, n = xyzT.shape
    n8 = n // 8
    xyz4 = xyzT.reshape(B, 3, 8, n8)
    inds, newx = pl.pallas_call(
        functools.partial(_fps_body, npoint=npoint, n=n),
        grid=(B,),
        in_specs=[pl.BlockSpec((1, 3, 8, n8), lambda b: (b, 0, 0, 0))],
        out_specs=[
            pl.BlockSpec((1, 1, npoint), lambda b: (b, 0, 0),
                         memory_space=pltpu.SMEM),
            pl.BlockSpec((1, 3, npoint), lambda b: (b, 0, 0),
                         memory_space=pltpu.SMEM),
        ],
        out_shape=[
            jax.ShapeDtypeStruct((B, 1, npoint), jnp.int32),
            jax.ShapeDtypeStruct((B, 3, npoint), jnp.float32),
        ],
        scratch_shapes=[pltpu.VMEM((8, n8), jnp.float32)],
    )(xyz4)
    return inds[:, 0], jnp.transpose(newx, (0, 2, 1))



def _dense_copy(x):
    m = x.shape[0]
    r = m // 128
    if r <= 512:
        d = r
    else:
        d = next(dd for dd in (512, 256, 128, 64, 32, 16, 8) if r % dd == 0)

    def body(i_ref, o_ref):
        o_ref[...] = i_ref[...]

    out = pl.pallas_call(
        body,
        grid=(r // d,),
        in_specs=[pl.BlockSpec((d, 128), lambda i: (i, 0))],
        out_specs=pl.BlockSpec((d, 128), lambda i: (i, 0)),
        out_shape=jax.ShapeDtypeStruct((r, 128), x.dtype),
    )(x.reshape(r, 128))
    return out.reshape(m)


def _ball_query_sc(xyz, cent, radius, nsample):
    from jax.experimental.pallas import tpu_sc as plsc

    B, n, _ = xyz.shape
    NP = cent.shape[1]
    NS = nsample
    NW = 32
    WPB = NW // B
    NPC = NP // WPB
    U = 8
    NCH = n // 16
    NBLK = NCH // U
    SLACK = NS + 16 * U
    r2 = float(radius) * float(radius)
    radius = float(radius)

    mesh = plsc.VectorSubcoreMesh(core_axis_name="c", subcore_axis_name="s")

    @functools.partial(
        pl.kernel,
        mesh=mesh,
        out_type=[
            jax.ShapeDtypeStruct((B * NP * NS,), jnp.int32),
            jax.ShapeDtypeStruct((B * NP * NS * 8,), jnp.float32),
        ],
        scratch_types=[
            pltpu.VMEM((3 * n,), jnp.float32),
            pltpu.VMEM((n,), jnp.float32),
            pltpu.VMEM((n,), jnp.float32),
            pltpu.VMEM((n,), jnp.float32),
            pltpu.VMEM((NP,), jnp.float32),
            pltpu.VMEM((NP,), jnp.float32),
            pltpu.VMEM((NP,), jnp.float32),
            pltpu.VMEM((SLACK,), jnp.int32),
            pltpu.VMEM((NS * 8,), jnp.float32),
        ],
        compiler_params=pltpu.CompilerParams(needs_layout_passes=False),
    )
    def bq(xyz_hbm, cent_hbm, idx_hbm, gx_hbm, pb, xb, yb, zb, cxb, cyb, czb,
           idxb, gb):
        wid = lax.axis_index("s") * 2 + lax.axis_index("c")
        b = wid // WPB
        t = wid % WPB
        c0 = t * NPC
        iota = lax.iota(jnp.int32, 16)

        pltpu.sync_copy(cent_hbm.at[pl.ds(b * 3 * NP, 3 * NP)],
                        pb.at[pl.ds(0, 3 * NP)])

        def deint_c(j, carry):
            srcv = (iota + j * 16) * 3
            cxb[pl.ds(j * 16, 16)] = plsc.load_gather(pb, [srcv])
            cyb[pl.ds(j * 16, 16)] = plsc.load_gather(pb, [srcv + 1])
            czb[pl.ds(j * 16, 16)] = plsc.load_gather(pb, [srcv + 2])
            return carry

        lax.fori_loop(0, NP // 16, deint_c, jnp.int32(0))

        pltpu.sync_copy(xyz_hbm.at[pl.ds(b * 3 * n, 3 * n)], pb)

        def deint_p(j, carry):
            srcv = (iota + j * 16) * 3
            xb[pl.ds(j * 16, 16)] = plsc.load_gather(pb, [srcv])
            yb[pl.ds(j * 16, 16)] = plsc.load_gather(pb, [srcv + 1])
            zb[pl.ds(j * 16, 16)] = plsc.load_gather(pb, [srcv + 2])
            return carry

        lax.fori_loop(0, n // 16, deint_p, jnp.int32(0))

        for g in range(NS * 8 // 16):
            gb[pl.ds(g * 16, 16)] = jnp.zeros((16,), jnp.float32)

        def per_centroid(k, carry):
            k16 = jnp.full((16,), c0 + k, jnp.int32)
            cx = plsc.load_gather(cxb, [k16])
            cy = plsc.load_gather(cyb, [k16])
            cz = plsc.load_gather(czb, [k16])

            def cond(st):
                blk, cur = st
                return jnp.logical_and(blk < NBLK, cur < NS)

            def sbody(st):
                blk, cur = st
                base0 = blk * (16 * U)
                masks = []
                cnts = []
                for u in range(U):
                    off = base0 + u * 16
                    px = xb[pl.ds(off, 16)]
                    py = yb[pl.ds(off, 16)]
                    pz = zb[pl.ds(off, 16)]
                    dx = px - cx
                    dy = py - cy
                    dz = pz - cz
                    d = dx * dx + dy * dy + dz * dz
                    m = d < r2
                    masks.append(m)
                    cnts.append(jnp.sum(m.astype(jnp.int32)))
                for u in range(U):
                    prefix = plsc.cumsum(masks[u].astype(jnp.int32))
                    pos = jnp.maximum(cur + prefix - 1, 0)
                    plsc.store_scatter(idxb, [pos],
                                       iota + (base0 + u * 16),
                                       mask=masks[u])
                    cur = cur + cnts[u]
                return (blk + jnp.int32(1), cur)

            _, cursor = lax.while_loop(cond, sbody,
                                       (jnp.int32(0), jnp.int32(0)))

            first = plsc.load_gather(idxb, [jnp.zeros((16,), jnp.int32)])
            for g in range(NS // 16):
                pos = iota + g * 16
                curv = idxb[pl.ds(g * 16, 16)]
                idxb[pl.ds(g * 16, 16)] = jnp.where(pos < cursor, curv, first)

            for g in range(NS // 16):
                iv = idxb[pl.ds(g * 16, 16)]
                gx = (plsc.load_gather(xb, [iv]) - cx) / radius
                gy = (plsc.load_gather(yb, [iv]) - cy) / radius
                gz = (plsc.load_gather(zb, [iv]) - cz) / radius
                lp = (iota + g * 16) * 8
                plsc.store_scatter(gb, [lp], gx)
                plsc.store_scatter(gb, [lp + 1], gy)
                plsc.store_scatter(gb, [lp + 2], gz)

            ci = (b * NP + c0 + k) * NS
            pltpu.sync_copy(idxb.at[pl.ds(0, NS)], idx_hbm.at[pl.ds(ci, NS)])
            pltpu.sync_copy(gb, gx_hbm.at[pl.ds(ci * 8, NS * 8)])
            return carry

        lax.fori_loop(0, NPC, per_centroid, jnp.int32(0))

    idx_flat, gx = bq(_dense_copy(xyz.reshape(-1)),
                      _dense_copy(cent.reshape(-1)))
    idx = _dense_copy(idx_flat).reshape(B, NP, NS)
    gx = _dense_copy(gx).reshape(B, NP * NS, 8)
    return idx, gx


def _fps_single(xyz, npoint):
    n = xyz.shape[0]

    def body(i, state):
        dists, farthest, inds = state
        inds = inds.at[i].set(farthest)
        d = jnp.sum((xyz - xyz[farthest]) ** 2, axis=-1)
        dists = jnp.minimum(dists, d)
        farthest = jnp.argmax(dists).astype(jnp.int32)
        return (dists, farthest, inds)

    dists = jnp.full((n,), 1e10, dtype=xyz.dtype)
    inds0 = jnp.zeros((npoint,), dtype=jnp.int32)
    _, _, inds = jax.lax.fori_loop(0, npoint, body, (dists, jnp.int32(0), inds0))
    return inds


def _ball_query_single(radius, nsample, xyz, new_xyz):
    n = xyz.shape[0]
    sqr = jnp.sum((new_xyz[:, None, :] - xyz[None, :, :]) ** 2, axis=-1)
    cand = jnp.where(sqr < radius * radius,
                     jnp.arange(n, dtype=jnp.int32)[None, :], jnp.int32(n))
    neg_vals, _ = jax.lax.top_k(-cand, nsample)
    idx = -neg_vals
    first = idx[:, :1]
    idx = jnp.where(idx == n, first, idx)
    return idx


def _shared_mlp(x, layers):
    for lyr in layers:
        x = jnp.einsum('oc,bcns->bons', lyr['W'], x)
        mean = jnp.mean(x, axis=(0, 2, 3), keepdims=True)
        var = jnp.var(x, axis=(0, 2, 3), keepdims=True)
        x = (x - mean) / jnp.sqrt(var + 1e-5)
        x = x * lyr['gamma'][None, :, None, None] + lyr['beta'][None, :, None, None]
        x = jax.nn.relu(x)
    return x


def _sa_module(xyz, features, npoint, radius, nsample, layers):
    B = xyz.shape[0]
    xyzT = jnp.transpose(xyz, (0, 2, 1))
    inds, new_xyz = _fps_pallas(xyzT, npoint)
    idx = jax.vmap(lambda p, q: _ball_query_single(radius, nsample, p, q))(
        xyz, new_xyz)
    grouped_xyz = jax.vmap(lambda p, i: p[i])(xyz, idx)
    grouped_xyz = (grouped_xyz - new_xyz[:, :, None, :]) / radius
    grouped_xyz = jnp.transpose(grouped_xyz, (0, 3, 1, 2))
    if features is not None:
        grouped_feats = jax.vmap(lambda f, i: f[:, i])(features, idx)
        grouped = jnp.concatenate([grouped_xyz, grouped_feats], axis=1)
    else:
        grouped = grouped_xyz
    new_features = _shared_mlp(grouped, layers)
    new_features = jnp.max(new_features, axis=-1)
    return new_xyz, new_features, inds


def _fp_module(unknown, known, unknow_feats, known_feats, layers):
    sqr = jnp.sum((unknown[:, :, None, :] - known[:, None, :, :]) ** 2, axis=-1)
    neg, idx = jax.lax.top_k(-sqr, 3)
    dist = -neg
    dist_recip = 1.0 / (dist + 1e-8)
    norm = jnp.sum(dist_recip, axis=2, keepdims=True)
    weight = dist_recip / norm
    gathered = jax.vmap(lambda f, i: f[:, i])(known_feats, idx)
    interpolated = jnp.sum(gathered * weight[:, None, :, :], axis=-1)
    new_features = jnp.concatenate([interpolated, unknow_feats], axis=1)
    return _shared_mlp(new_features[..., None], layers)[..., 0]


def _backbone_impl(pointcloud, params):
    xyz = pointcloud[..., 0:3]
    sa1_xyz, sa1_f, sa1_inds = _sa_module(xyz, None, 2048, 0.2, 64, params['sa1'])
    sa2_xyz, sa2_f, _ = _sa_module(sa1_xyz, sa1_f, 1024, 0.4, 32, params['sa2'])
    sa3_xyz, sa3_f, _ = _sa_module(sa2_xyz, sa2_f, 512, 0.8, 16, params['sa3'])
    sa4_xyz, sa4_f, _ = _sa_module(sa3_xyz, sa3_f, 256, 1.2, 16, params['sa4'])
    f = _fp_module(sa3_xyz, sa4_xyz, sa3_f, sa4_f, params['fp1'])
    f = _fp_module(sa2_xyz, sa3_xyz, sa2_f, f, params['fp2'])
    return f, sa2_xyz, sa1_inds[:, :1024]


_backbone_jitted = jax.jit(_backbone_impl)


def kernel(pointcloud, params):
    return _backbone_jitted(pointcloud, params)

# --- scband reference (transcript-rebuilt; emitter-appended) ---
"""Pipeline reference for scband-pointnet2-backbone-5669356832930 (READ-ONLY COPY).

The authoritative reference and input builder live on the scoring server;
editing this copy changes nothing except your own understanding.
"""

import jax, jax.numpy as jnp
import numpy as np

B = 2
N = 16384
MLP_SPECS = {
    'sa1': [3, 64, 64, 128],
    'sa2': [131, 128, 128, 256],
    'sa3': [259, 128, 128, 256],
    'sa4': [259, 128, 128, 256],
    'fp1': [512, 256, 256],
    'fp2': [512, 256, 256],
}

def init_params(key):
    params = {}
    for name, dims in MLP_SPECS.items():
        layers = []
        for i in range(len(dims) - 1):
            key, k1 = jax.random.split(key)
            W = jax.random.normal(k1, (dims[i + 1], dims[i]), dtype=jnp.float32) / np.sqrt(dims[i])
            layers.append({'W': W,
                           'gamma': jnp.ones((dims[i + 1],), dtype=jnp.float32),
                           'beta': jnp.zeros((dims[i + 1],), dtype=jnp.float32)})
        params[name] = layers
    return params

def fps_single(xyz, npoint):
    n = xyz.shape[0]
    def body(i, state):
        dists, farthest, inds = state
        inds = inds.at[i].set(farthest)
        d = jnp.sum((xyz - xyz[farthest]) ** 2, axis=-1)
        dists = jnp.minimum(dists, d)
        farthest = jnp.argmax(dists).astype(jnp.int32)
        return (dists, farthest, inds)
    dists = jnp.full((n,), 1e10, dtype=xyz.dtype)
    inds0 = jnp.zeros((npoint,), dtype=jnp.int32)
    _, _, inds = jax.lax.fori_loop(0, npoint, body, (dists, jnp.int32(0), inds0))
    return inds

def ball_query_single(radius, nsample, xyz, new_xyz):
    n = xyz.shape[0]
    sqr = jnp.sum((new_xyz[:, None, :] - xyz[None, :, :]) ** 2, axis=-1)
    cand = jnp.where(sqr < radius * radius, jnp.arange(n, dtype=jnp.int32)[None, :], jnp.int32(n))
    neg_vals, _ = jax.lax.top_k(-cand, nsample)
    idx = -neg_vals
    first = idx[:, :1]
    idx = jnp.where(idx == n, first, idx)
    return idx

def shared_mlp(x, layers):
    # Conv2d 1x1 (no bias) + BatchNorm2d (training-mode batch stats) + ReLU
    for lyr in layers:
        x = jnp.einsum('oc,bcns->bons', lyr['W'], x)
        mean = jnp.mean(x, axis=(0, 2, 3), keepdims=True)
        var = jnp.var(x, axis=(0, 2, 3), keepdims=True)
        x = (x - mean) / jnp.sqrt(var + 1e-5)
        x = x * lyr['gamma'][None, :, None, None] + lyr['beta'][None, :, None, None]
        x = jax.nn.relu(x)
    return x

def sa_module(xyz, features, npoint, radius, nsample, layers):
    xyz_sg = jax.lax.stop_gradient(xyz)
    inds = jax.vmap(lambda p: fps_single(p, npoint))(xyz_sg)
    new_xyz = jax.vmap(lambda p, i: p[i])(xyz, inds)
    idx = jax.vmap(lambda p, q: ball_query_single(radius, nsample, p, q))(xyz_sg, jax.lax.stop_gradient(new_xyz))
    grouped_xyz = jax.vmap(lambda p, i: p[i])(xyz, idx)
    grouped_xyz = (grouped_xyz - new_xyz[:, :, None, :]) / radius  # normalize_xyz=True
    grouped_xyz = jnp.transpose(grouped_xyz, (0, 3, 1, 2))
    if features is not None:
        grouped_feats = jax.vmap(lambda f, i: f[:, i])(features, idx)
        grouped = jnp.concatenate([grouped_xyz, grouped_feats], axis=1)  # use_xyz=True
    else:
        grouped = grouped_xyz
    new_features = shared_mlp(grouped, layers)
    new_features = jnp.max(new_features, axis=-1)  # max pooling over nsample
    return new_xyz, new_features, inds

def fp_module(unknown, known, unknow_feats, known_feats, layers):
    u = jax.lax.stop_gradient(unknown)
    k = jax.lax.stop_gradient(known)
    sqr = jnp.sum((u[:, :, None, :] - k[:, None, :, :]) ** 2, axis=-1)
    neg, idx = jax.lax.top_k(-sqr, 3)
    dist = -neg  # squared dists, as in pointnet2 three_nn
    dist_recip = 1.0 / (dist + 1e-8)
    norm = jnp.sum(dist_recip, axis=2, keepdims=True)
    weight = dist_recip / norm
    gathered = jax.vmap(lambda f, i: f[:, i])(known_feats, idx)
    interpolated = jnp.sum(gathered * weight[:, None, :, :], axis=-1)
    new_features = jnp.concatenate([interpolated, unknow_feats], axis=1)
    return shared_mlp(new_features[..., None], layers)[..., 0]

def backbone(pointcloud, params):
    xyz = pointcloud[..., 0:3]
    features = None  # input_feature_dim == 0
    sa1_xyz, sa1_f, sa1_inds = sa_module(xyz, features, 2048, 0.2, 64, params['sa1'])
    sa2_xyz, sa2_f, _ = sa_module(sa1_xyz, sa1_f, 1024, 0.4, 32, params['sa2'])
    sa3_xyz, sa3_f, _ = sa_module(sa2_xyz, sa2_f, 512, 0.8, 16, params['sa3'])
    sa4_xyz, sa4_f, _ = sa_module(sa3_xyz, sa3_f, 256, 1.2, 16, params['sa4'])
    f = fp_module(sa3_xyz, sa4_xyz, sa3_f, sa4_f, params['fp1'])
    f = fp_module(sa2_xyz, sa3_xyz, sa2_f, f, params['fp2'])
    fp2_features = f
    fp2_xyz = sa2_xyz
    fp2_inds = sa1_inds[:, :1024]
    return fp2_features, fp2_xyz, fp2_inds

_backbone_jit = jax.jit(backbone)

def setup_inputs(seed: int = 0):
    key = jax.random.key(seed)
    k1, k2 = jax.random.split(key)
    pointcloud = jax.random.normal(k1, (B, N, 3), dtype=jnp.float32)
    params = init_params(k2)
    return {"pointcloud": pointcloud, "params": params}

def reference(pointcloud, params):
    return _backbone_jit(pointcloud, params)

if __name__ == "__main__":
    import jax
    _d = setup_inputs()
    print(jax.jit(kernel)(*tuple(_d.values())))

</pallas_src>

<mosaic_0001>
module attributes {stable_mosaic.version = 14 : i64} {
  func.func @_fps_body(%arg0: i32, %arg1: memref<1x3x8x2048xf32, #tpu.memory_space<vmem>>, %arg2: memref<1x1x2048xi32, #tpu.memory_space<smem>>, %arg3: memref<1x3x2048xf32, #tpu.memory_space<smem>>, %arg4: memref<8x2048xf32, #tpu.memory_space<vmem>>) attributes {dimension_semantics = [#tpu.dimension_semantics<arbitrary>], iteration_bounds = array<i64: 2>, scalar_prefetch = 0 : i64, scratch_operands = 1 : i64, tpu.core_type = #tpu.core_type<tc>, window_params = [{transform_indices = @transform_0, window_bounds = array<i64: 1, 3, 8, 2048>}, {transform_indices = @transform_1, window_bounds = array<i64: 1, 1, 2048>}, {transform_indices = @transform_2, window_bounds = array<i64: 1, 3, 2048>}]} {
    %get3A = arith.constant 0 : index
    %get3A_0 = arith.constant 0 : index
    %get3A_1 = arith.constant 0 : index
    %get3A_2 = arith.constant 0 : index
    %get3A_3 = vector.load %arg1[%get3A, %get3A_0, %get3A_1, %get3A_2] : memref<1x3x8x2048xf32, #tpu.memory_space<vmem>>, vector<1x1x8x2048xf32>
    %get3A_4 = vector.shape_cast %get3A_3 : vector<1x1x8x2048xf32> to vector<8x2048xf32>
    %get3A_5 = arith.constant 0 : index
    %get3A_6 = arith.constant 1 : index
    %get3A_7 = arith.constant 0 : index
    %get3A_8 = arith.constant 0 : index
    %get3A_9 = vector.load %arg1[%get3A_5, %get3A_6, %get3A_7, %get3A_8] : memref<1x3x8x2048xf32, #tpu.memory_space<vmem>>, vector<1x1x8x2048xf32>
    %get3A_10 = vector.shape_cast %get3A_9 : vector<1x1x8x2048xf32> to vector<8x2048xf32>
    %get3A_11 = arith.constant 0 : index
    %get3A_12 = arith.constant 2 : index
    %get3A_13 = arith.constant 0 : index
    %get3A_14 = arith.constant 0 : index
    %get3A_15 = vector.load %arg1[%get3A_11, %get3A_12, %get3A_13, %get3A_14] : memref<1x3x8x2048xf32, #tpu.memory_space<vmem>>, vector<1x1x8x2048xf32>
    %get3A_16 = vector.shape_cast %get3A_15 : vector<1x1x8x2048xf32> to vector<8x2048xf32>
    %iota3A = tpu.iota {dimensions = array<i32: 0>} : vector<8x2048xi32>
    %mul3A = arith.constant 2048 : i32
    %mul3A_17 = vector.broadcast %mul3A : i32 to vector<8x2048xi32>
    %mul3A_18 = arith.muli %iota3A, %mul3A_17 : vector<8x2048xi32>
    %iota3A_19 = tpu.iota {dimensions = array<i32: 1>} : vector<8x2048xi32>
    %add3A = arith.addi %mul3A_18, %iota3A_19 : vector<8x2048xi32>
    %broadcast_in_dim3A = arith.constant 1.000000e+10 : f32
    %broadcast_in_dim3A_20 = vector.broadcast %broadcast_in_dim3A : f32 to vector<8x2048xf32>
    %swap3A = arith.constant 0 : index
    %swap3A_21 = arith.constant 0 : index
    %swap3A_22 = vector.load %arg4[%swap3A, %swap3A_21] : memref<8x2048xf32, #tpu.memory_space<vmem>>, vector<8x2048xf32>
    tpu.vector_store %arg4[%swap3A, %swap3A_21], %broadcast_in_dim3A_20 {strides = array<i32>} : memref<8x2048xf32, #tpu.memory_space<vmem>>, vector<8x2048xf32>,
    %scan3A = arith.constant 0 : i32
    %scan3A_23 = arith.constant 0 : i32
    %scan3A_24 = arith.constant 2048 : i32
    %scan3A_25 = arith.addi %scan3A_23, %scan3A_24 : i32
    %scan3A_26 = arith.constant 1 : i32
    %scan3A_27 = scf.for %scan3A_29 = %scan3A_23 to %scan3A_25 step %scan3A_26 iter_args(%scan3A_30 = %scan3A) -> (i32)  : i32 {
      %eq3A = vector.broadcast %scan3A_30 : i32 to vector<8x2048xi32>
      %eq3A_31 = arith.cmpi eq, %add3A, %eq3A : vector<8x2048xi32>
      %jit3A = arith.constant 0.000000e+00 : f32
      %broadcast_in_dim3A_32 = vector.broadcast %jit3A : f32 to vector<8x2048xf32>
      %select_n3A = arith.select %eq3A_31, %get3A_4, %broadcast_in_dim3A_32 : vector<8x2048xi1>, vector<8x2048xf32>
      %reduce_sum3A = vector.shape_cast %select_n3A : vector<8x2048xf32> to vector<1x8x2048xf32>
      %reduce_sum3A_33 = arith.constant dense<0.000000e+00> : vector<1xf32>
      %reduce_sum3A_34 = vector.multi_reduction <add>, %reduce_sum3A, %reduce_sum3A_33 [1, 2] : vector<1x8x2048xf32> to vector<1xf32>
      %reduce_sum3A_35 = vector.shape_cast %reduce_sum3A_34 : vector<1xf32> to vector<1x1x1xf32>
      %reduce_sum3A_36 = vector.extract %reduce_sum3A_35[0, 0, 0] : f32 from vector<1x1x1xf32>
      %jit3A_37 = arith.constant 0.000000e+00 : f32
      %broadcast_in_dim3A_38 = vector.broadcast %jit3A_37 : f32 to vector<8x2048xf32>
      %select_n3A_39 = arith.select %eq3A_31, %get3A_10, %broadcast_in_dim3A_38 : vector<8x2048xi1>, vector<8x2048xf32>
      %reduce_sum3A_40 = vector.shape_cast %select_n3A_39 : vector<8x2048xf32> to vector<1x8x2048xf32>
      %reduce_sum3A_41 = arith.constant dense<0.000000e+00> : vector<1xf32>
      %reduce_sum3A_42 = vector.multi_reduction <add>, %reduce_sum3A_40, %reduce_sum3A_41 [1, 2] : vector<1x8x2048xf32> to vector<1xf32>
      %reduce_sum3A_43 = vector.shape_cast %reduce_sum3A_42 : vector<1xf32> to vector<1x1x1xf32>
      %reduce_sum3A_44 = vector.extract %reduce_sum3A_43[0, 0, 0] : f32 from vector<1x1x1xf32>
      %jit3A_45 = arith.constant 0.000000e+00 : f32
      %broadcast_in_dim3A_46 = vector.broadcast %jit3A_45 : f32 to vector<8x2048xf32>
      %select_n3A_47 = arith.select %eq3A_31, %get3A_16, %broadcast_in_dim3A_46 : vector<8x2048xi1>, vector<8x2048xf32>
      %reduce_sum3A_48 = vector.shape_cast %select_n3A_47 : vector<8x2048xf32> to vector<1x8x2048xf32>
      %reduce_sum3A_49 = arith.constant dense<0.000000e+00> : vector<1xf32>
      %reduce_sum3A_50 = vector.multi_reduction <add>, %reduce_sum3A_48, %reduce_sum3A_49 [1, 2] : vector<1x8x2048xf32> to vector<1xf32>
      %reduce_sum3A_51 = vector.shape_cast %reduce_sum3A_50 : vector<1xf32> to vector<1x1x1xf32>
      %reduce_sum3A_52 = vector.extract %reduce_sum3A_51[0, 0, 0] : f32 from vector<1x1x1xf32>
      %swap3A_53 = arith.constant 0 : index
      %swap3A_54 = arith.constant 0 : index
      %swap3A_55 = arith.index_cast %scan3A_29 : i32 to index
      %swap3A_56 = memref.load %arg2[%swap3A_53, %swap3A_54, %swap3A_55] : memref<1x1x2048xi32, #tpu.memory_space<smem>>
      memref.store %scan3A_30, %arg2[%swap3A_53, %swap3A_54, %swap3A_55] : memref<1x1x2048xi32, #tpu.memory_space<smem>>
      %swap3A_57 = arith.constant 0 : index
      %swap3A_58 = arith.constant 0 : index
      %swap3A_59 = arith.index_cast %scan3A_29 : i32 to index
      %swap3A_60 = memref.load %arg3[%swap3A_57, %swap3A_58, %swap3A_59] : memref<1x3x2048xf32, #tpu.memory_space<smem>>
      memref.store %reduce_sum3A_36, %arg3[%swap3A_57, %swap3A_58, %swap3A_59] : memref<1x3x2048xf32, #tpu.memory_space<smem>>
      %swap3A_61 = arith.constant 0 : index
      %swap3A_62 = arith.constant 1 : index
      %swap3A_63 = arith.index_cast %scan3A_29 : i32 to index
      %swap3A_64 = memref.load %arg3[%swap3A_61, %swap3A_62, %swap3A_63] : memref<1x3x2048xf32, #tpu.memory_space<smem>>
      memref.store %reduce_sum3A_44, %arg3[%swap3A_61, %swap3A_62, %swap3A_63] : memref<1x3x2048xf32, #tpu.memory_space<smem>>
      %swap3A_65 = arith.constant 0 : index
      %swap3A_66 = arith.constant 2 : index
      %swap3A_67 = arith.index_cast %scan3A_29 : i32 to index
      %swap3A_68 = memref.load %arg3[%swap3A_65, %swap3A_66, %swap3A_67] : memref<1x3x2048xf32, #tpu.memory_space<smem>>
      memref.store %reduce_sum3A_52, %arg3[%swap3A_65, %swap3A_66, %swap3A_67] : memref<1x3x2048xf32, #tpu.memory_space<smem>>
      %sub3A = vector.broadcast %reduce_sum3A_36 : f32 to vector<8x2048xf32>
      %sub3A_69 = arith.subf %get3A_4, %sub3A : vector<8x2048xf32>
      %sub3A_70 = vector.broadcast %reduce_sum3A_44 : f32 to vector<8x2048xf32>
      %sub3A_71 = arith.subf %get3A_10, %sub3A_70 : vector<8x2048xf32>
      %sub3A_72 = vector.broadcast %reduce_sum3A_52 : f32 to vector<8x2048xf32>
      %sub3A_73 = arith.subf %get3A_16, %sub3A_72 : vector<8x2048xf32>
      %mul3A_74 = arith.mulf %sub3A_69, %sub3A_69 : vector<8x2048xf32>
      %mul3A_75 = arith.mulf %sub3A_71, %sub3A_71 : vector<8x2048xf32>
      %add3A_76 = arith.addf %mul3A_74, %mul3A_75 : vector<8x2048xf32>
      %mul3A_77 = arith.mulf %sub3A_73, %sub3A_73 : vector<8x2048xf32>
      %add3A_78 = arith.addf %add3A_76, %mul3A_77 : vector<8x2048xf32>
      %get3A_79 = arith.constant 0 : index
      %get3A_80 = arith.constant 0 : index
      %get3A_81 = vector.load %arg4[%get3A_79, %get3A_80] : memref<8x2048xf32, #tpu.memory_space<vmem>>, vector<8x2048xf32>
      %min3A = arith.minimumf %get3A_81, %add3A_78 : vector<8x2048xf32>
      %swap3A_82 = arith.constant 0 : index
      %swap3A_83 = arith.constant 0 : index
      %swap3A_84 = vector.load %arg4[%swap3A_82, %swap3A_83] : memref<8x2048xf32, #tpu.memory_space<vmem>>, vector<8x2048xf32>
      tpu.vector_store %arg4[%swap3A_82, %swap3A_83], %min3A {strides = array<i32>} : memref<8x2048xf32, #tpu.memory_space<vmem>>, vector<8x2048xf32>,
      %reduce_max3A = vector.shape_cast %min3A : vector<8x2048xf32> to vector<1x8x2048xf32>
      %reduce_max3A_85 = arith.constant dense<0xFF800000> : vector<1xf32>
      %reduce_max3A_86 = vector.multi_reduction <maximumf>, %reduce_max3A, %reduce_max3A_85 [1, 2] : vector<1x8x2048xf32> to vector<1xf32>
      %reduce_max3A_87 = vector.shape_cast %reduce_max3A_86 : vector<1xf32> to vector<1x1x1xf32>
      %reduce_max3A_88 = vector.extract %reduce_max3A_87[0, 0, 0] : f32 from vector<1x1x1xf32>
      %eq3A_89 = vector.broadcast %reduce_max3A_88 : f32 to vector<8x2048xf32>
      %eq3A_90 = arith.cmpf oeq, %min3A, %eq3A_89 : vector<8x2048xf32>
      %jit3A_91 = arith.constant 16384 : i32
      %broadcast_in_dim3A_92 = vector.broadcast %jit3A_91 : i32 to vector<8x2048xi32>
      %select_n3A_93 = arith.select %eq3A_90, %add3A, %broadcast_in_dim3A_92 : vector<8x2048xi1>, vector<8x2048xi32>
      %reduce_min3A = vector.shape_cast %select_n3A_93 : vector<8x2048xi32> to vector<1x8x2048xi32>
      %reduce_min3A_94 = arith.constant dense<2147483647> : vector<1xi32>
      %reduce_min3A_95 = vector.multi_reduction <minsi>, %reduce_min3A, %reduce_min3A_94 [1, 2] : vector<1x8x2048xi32> to vector<1xi32>
      %reduce_min3A_96 = vector.shape_cast %reduce_min3A_95 : vector<1xi32> to vector<1x1x1xi32>
      %reduce_min3A_97 = vector.extract %reduce_min3A_96[0, 0, 0] : i32 from vector<1x1x1xi32>
      scf.yield %reduce_min3A_97 : i32
    }
    %scan3A_28 = arith.constant 2048 : i32
    return
  }
  func.func @transform_0(%arg0: i32) -> (i32, i32, i32, i32) {
    %c0_i32 = arith.constant 0 : i32
    %c0_i32_0 = arith.constant 0 : i32
    %c0_i32_1 = arith.constant 0 : i32
    %c0_i32_2 = arith.constant 0 : i32
    return %arg0, %c0_i32, %c0_i32_0, %c0_i32_1 : i32, i32, i32, i32
  }
  func.func @transform_1(%arg0: i32) -> (i32, i32, i32) {
    %c0_i32 = arith.constant 0 : i32
    %c0_i32_0 = arith.constant 0 : i32
    %c0_i32_1 = arith.constant 0 : i32
    return %arg0, %c0_i32, %c0_i32_0 : i32, i32, i32
  }
  func.func @transform_2(%arg0: i32) -> (i32, i32, i32) {
    %c0_i32 = arith.constant 0 : i32
    %c0_i32_0 = arith.constant 0 : i32
    %c0_i32_1 = arith.constant 0 : i32
    return %arg0, %c0_i32, %c0_i32_0 : i32, i32, i32
  }
}

module attributes {stable_mosaic.version = 14 : i64} {
  func.func @_fps_body(%arg0: i32, %arg1: memref<1x3x8x256xf32, #tpu.memory_space<vmem>>, %arg2: memref<1x1x1024xi32, #tpu.memory_space<smem>>, %arg3: memref<1x3x1024xf32, #tpu.memory_space<smem>>, %arg4: memref<8x256xf32, #tpu.memory_space<vmem>>) attributes {dimension_semantics = [#tpu.dimension_semantics<arbitrary>], iteration_bounds = array<i64: 2>, scalar_prefetch = 0 : i64, scratch_operands = 1 : i64, tpu.core_type = #tpu.core_type<tc>, window_params = [{transform_indices = @transform_0, window_bounds = array<i64: 1, 3, 8, 256>}, {transform_indices = @transform_1, window_bounds = array<i64: 1, 1, 1024>}, {transform_indices = @transform_2, window_bounds = array<i64: 1, 3, 1024>}]} {
    %get3A = arith.constant 0 : index
    %get3A_0 = arith.constant 0 : index
    %get3A_1 = arith.constant 0 : index
    %get3A_2 = arith.constant 0 : index
    %get3A_3 = vector.load %arg1[%get3A, %get3A_0, %get3A_1, %get3A_2] : memref<1x3x8x256xf32, #tpu.memory_space<vmem>>, vector<1x1x8x256xf32>
    %get3A_4 = vector.shape_cast %get3A_3 : vector<1x1x8x256xf32> to vector<8x256xf32>
    %get3A_5 = arith.constant 0 : index
    %get3A_6 = arith.constant 1 : index
    %get3A_7 = arith.constant 0 : index
    %get3A_8 = arith.constant 0 : index
    %get3A_9 = vector.load %arg1[%get3A_5, %get3A_6, %get3A_7, %get3A_8] : memref<1x3x8x256xf32, #tpu.memory_space<vmem>>, vector<1x1x8x256xf32>
    %get3A_10 = vector.shape_cast %get3A_9 : vector<1x1x8x256xf32> to vector<8x256xf32>
    %get3A_11 = arith.constant 0 : index
    %get3A_12 = arith.constant 2 : index
    %get3A_13 = arith.constant 0 : index
    %get3A_14 = arith.constant 0 : index
    %get3A_15 = vector.load %arg1[%get3A_11, %get3A_12, %get3A_13, %get3A_14] : memref<1x3x8x256xf32, #tpu.memory_space<vmem>>, vector<1x1x8x256xf32>
    %get3A_16 = vector.shape_cast %get3A_15 : vector<1x1x8x256xf32> to vector<8x256xf32>
    %iota3A = tpu.iota {dimensions = array<i32: 0>} : vector<8x256xi32>
    %mul3A = arith.constant 256 : i32
    %mul3A_17 = vector.broadcast %mul3A : i32 to vector<8x256xi32>
    %mul3A_18 = arith.muli %iota3A, %mul3A_17 : vector<8x256xi32>
    %iota3A_19 = tpu.iota {dimensions = array<i32: 1>} : vector<8x256xi32>
    %add3A = arith.addi %mul3A_18, %iota3A_19 : vector<8x256xi32>
    %broadcast_in_dim3A = arith.constant 1.000000e+10 : f32
    %broadcast_in_dim3A_20 = vector.broadcast %broadcast_in_dim3A : f32 to vector<8x256xf32>
    %swap3A = arith.constant 0 : index
    %swap3A_21 = arith.constant 0 : index
    %swap3A_22 = vector.load %arg4[%swap3A, %swap3A_21] : memref<8x256xf32, #tpu.memory_space<vmem>>, vector<8x256xf32>
    tpu.vector_store %arg4[%swap3A, %swap3A_21], %broadcast_in_dim3A_20 {strides = array<i32>} : memref<8x256xf32, #tpu.memory_space<vmem>>, vector<8x256xf32>,
    %scan3A = arith.constant 0 : i32
    %scan3A_23 = arith.constant 0 : i32
    %scan3A_24 = arith.constant 1024 : i32
    %scan3A_25 = arith.addi %scan3A_23, %scan3A_24 : i32
    %scan3A_26 = arith.constant 1 : i32
    %scan3A_27 = scf.for %scan3A_29 = %scan3A_23 to %scan3A_25 step %scan3A_26 iter_args(%scan3A_30 = %scan3A) -> (i32)  : i32 {
      %eq3A = vector.broadcast %scan3A_30 : i32 to vector<8x256xi32>
      %eq3A_31 = arith.cmpi eq, %add3A, %eq3A : vector<8x256xi32>
      %jit3A = arith.constant 0.000000e+00 : f32
      %broadcast_in_dim3A_32 = vector.broadcast %jit3A : f32 to vector<8x256xf32>
      %select_n3A = arith.select %eq3A_31, %get3A_4, %broadcast_in_dim3A_32 : vector<8x256xi1>, vector<8x256xf32>
      %reduce_sum3A = vector.shape_cast %select_n3A : vector<8x256xf32> to vector<1x8x256xf32>
      %reduce_sum3A_33 = arith.constant dense<0.000000e+00> : vector<1xf32>
      %reduce_sum3A_34 = vector.multi_reduction <add>, %reduce_sum3A, %reduce_sum3A_33 [1, 2] : vector<1x8x256xf32> to vector<1xf32>
      %reduce_sum3A_35 = vector.shape_cast %reduce_sum3A_34 : vector<1xf32> to vector<1x1x1xf32>
      %reduce_sum3A_36 = vector.extract %reduce_sum3A_35[0, 0, 0] : f32 from vector<1x1x1xf32>
      %jit3A_37 = arith.constant 0.000000e+00 : f32
      %broadcast_in_dim3A_38 = vector.broadcast %jit3A_37 : f32 to vector<8x256xf32>
      %select_n3A_39 = arith.select %eq3A_31, %get3A_10, %broadcast_in_dim3A_38 : vector<8x256xi1>, vector<8x256xf32>
      %reduce_sum3A_40 = vector.shape_cast %select_n3A_39 : vector<8x256xf32> to vector<1x8x256xf32>
      %reduce_sum3A_41 = arith.constant dense<0.000000e+00> : vector<1xf32>
      %reduce_sum3A_42 = vector.multi_reduction <add>, %reduce_sum3A_40, %reduce_sum3A_41 [1, 2] : vector<1x8x256xf32> to vector<1xf32>
      %reduce_sum3A_43 = vector.shape_cast %reduce_sum3A_42 : vector<1xf32> to vector<1x1x1xf32>
      %reduce_sum3A_44 = vector.extract %reduce_sum3A_43[0, 0, 0] : f32 from vector<1x1x1xf32>
      %jit3A_45 = arith.constant 0.000000e+00 : f32
      %broadcast_in_dim3A_46 = vector.broadcast %jit3A_45 : f32 to vector<8x256xf32>
      %select_n3A_47 = arith.select %eq3A_31, %get3A_16, %broadcast_in_dim3A_46 : vector<8x256xi1>, vector<8x256xf32>
      %reduce_sum3A_48 = vector.shape_cast %select_n3A_47 : vector<8x256xf32> to vector<1x8x256xf32>
      %reduce_sum3A_49 = arith.constant dense<0.000000e+00> : vector<1xf32>
      %reduce_sum3A_50 = vector.multi_reduction <add>, %reduce_sum3A_48, %reduce_sum3A_49 [1, 2] : vector<1x8x256xf32> to vector<1xf32>
      %reduce_sum3A_51 = vector.shape_cast %reduce_sum3A_50 : vector<1xf32> to vector<1x1x1xf32>
      %reduce_sum3A_52 = vector.extract %reduce_sum3A_51[0, 0, 0] : f32 from vector<1x1x1xf32>
      %swap3A_53 = arith.constant 0 : index
      %swap3A_54 = arith.constant 0 : index
      %swap3A_55 = arith.index_cast %scan3A_29 : i32 to index
      %swap3A_56 = memref.load %arg2[%swap3A_53, %swap3A_54, %swap3A_55] : memref<1x1x1024xi32, #tpu.memory_space<smem>>
      memref.store %scan3A_30, %arg2[%swap3A_53, %swap3A_54, %swap3A_55] : memref<1x1x1024xi32, #tpu.memory_space<smem>>
      %swap3A_57 = arith.constant 0 : index
      %swap3A_58 = arith.constant 0 : index
      %swap3A_59 = arith.index_cast %scan3A_29 : i32 to index
      %swap3A_60 = memref.load %arg3[%swap3A_57, %swap3A_58, %swap3A_59] : memref<1x3x1024xf32, #tpu.memory_space<smem>>
      memref.store %reduce_sum3A_36, %arg3[%swap3A_57, %swap3A_58, %swap3A_59] : memref<1x3x1024xf32, #tpu.memory_space<smem>>
      %swap3A_61 = arith.constant 0 : index
      %swap3A_62 = arith.constant 1 : index
      %swap3A_63 = arith.index_cast %scan3A_29 : i32 to index
      %swap3A_64 = memref.load %arg3[%swap3A_61, %swap3A_62, %swap3A_63] : memref<1x3x1024xf32, #tpu.memory_space<smem>>
      memref.store %reduce_sum3A_44, %arg3[%swap3A_61, %swap3A_62, %swap3A_63] : memref<1x3x1024xf32, #tpu.memory_space<smem>>
      %swap3A_65 = arith.constant 0 : index
      %swap3A_66 = arith.constant 2 : index
      %swap3A_67 = arith.index_cast %scan3A_29 : i32 to index
      %swap3A_68 = memref.load %arg3[%swap3A_65, %swap3A_66, %swap3A_67] : memref<1x3x1024xf32, #tpu.memory_space<smem>>
      memref.store %reduce_sum3A_52, %arg3[%swap3A_65, %swap3A_66, %swap3A_67] : memref<1x3x1024xf32, #tpu.memory_space<smem>>
      %sub3A = vector.broadcast %reduce_sum3A_36 : f32 to vector<8x256xf32>
      %sub3A_69 = arith.subf %get3A_4, %sub3A : vector<8x256xf32>
      %sub3A_70 = vector.broadcast %reduce_sum3A_44 : f32 to vector<8x256xf32>
      %sub3A_71 = arith.subf %get3A_10, %sub3A_70 : vector<8x256xf32>
      %sub3A_72 = vector.broadcast %reduce_sum3A_52 : f32 to vector<8x256xf32>
      %sub3A_73 = arith.subf %get3A_16, %sub3A_72 : vector<8x256xf32>
      %mul3A_74 = arith.mulf %sub3A_69, %sub3A_69 : vector<8x256xf32>
      %mul3A_75 = arith.mulf %sub3A_71, %sub3A_71 : vector<8x256xf32>
      %add3A_76 = arith.addf %mul3A_74, %mul3A_75 : vector<8x256xf32>
      %mul3A_77 = arith.mulf %sub3A_73, %sub3A_73 : vector<8x256xf32>
      %add3A_78 = arith.addf %add3A_76, %mul3A_77 : vector<8x256xf32>
      %get3A_79 = arith.constant 0 : index
      %get3A_80 = arith.constant 0 : index
      %get3A_81 = vector.load %arg4[%get3A_79, %get3A_80] : memref<8x256xf32, #tpu.memory_space<vmem>>, vector<8x256xf32>
      %min3A = arith.minimumf %get3A_81, %add3A_78 : vector<8x256xf32>
      %swap3A_82 = arith.constant 0 : index
      %swap3A_83 = arith.constant 0 : index
      %swap3A_84 = vector.load %arg4[%swap3A_82, %swap3A_83] : memref<8x256xf32, #tpu.memory_space<vmem>>, vector<8x256xf32>
      tpu.vector_store %arg4[%swap3A_82, %swap3A_83], %min3A {strides = array<i32>} : memref<8x256xf32, #tpu.memory_space<vmem>>, vector<8x256xf32>,
      %reduce_max3A = vector.shape_cast %min3A : vector<8x256xf32> to vector<1x8x256xf32>
      %reduce_max3A_85 = arith.constant dense<0xFF800000> : vector<1xf32>
      %reduce_max3A_86 = vector.multi_reduction <maximumf>, %reduce_max3A, %reduce_max3A_85 [1, 2] : vector<1x8x256xf32> to vector<1xf32>
      %reduce_max3A_87 = vector.shape_cast %reduce_max3A_86 : vector<1xf32> to vector<1x1x1xf32>
      %reduce_max3A_88 = vector.extract %reduce_max3A_87[0, 0, 0] : f32 from vector<1x1x1xf32>
      %eq3A_89 = vector.broadcast %reduce_max3A_88 : f32 to vector<8x256xf32>
      %eq3A_90 = arith.cmpf oeq, %min3A, %eq3A_89 : vector<8x256xf32>
      %jit3A_91 = arith.constant 2048 : i32
      %broadcast_in_dim3A_92 = vector.broadcast %jit3A_91 : i32 to vector<8x256xi32>
      %select_n3A_93 = arith.select %eq3A_90, %add3A, %broadcast_in_dim3A_92 : vector<8x256xi1>, vector<8x256xi32>
      %reduce_min3A = vector.shape_cast %select_n3A_93 : vector<8x256xi32> to vector<1x8x256xi32>
      %reduce_min3A_94 = arith.constant dense<2147483647> : vector<1xi32>
      %reduce_min3A_95 = vector.multi_reduction <minsi>, %reduce_min3A, %reduce_min3A_94 [1, 2] : vector<1x8x256xi32> to vector<1xi32>
      %reduce_min3A_96 = vector.shape_cast %reduce_min3A_95 : vector<1xi32> to vector<1x1x1xi32>
      %reduce_min3A_97 = vector.extract %reduce_min3A_96[0, 0, 0] : i32 from vector<1x1x1xi32>
      scf.yield %reduce_min3A_97 : i32
    }
    %scan3A_28 = arith.constant 1024 : i32
    return
  }
  func.func @transform_0(%arg0: i32) -> (i32, i32, i32, i32) {
    %c0_i32 = arith.constant 0 : i32
    %c0_i32_0 = arith.constant 0 : i32
    %c0_i32_1 = arith.constant 0 : i32
    %c0_i32_2 = arith.constant 0 : i32
    return %arg0, %c0_i32, %c0_i32_0, %c0_i32_1 : i32, i32, i32, i32
  }
  func.func @transform_1(%arg0: i32) -> (i32, i32, i32) {
    %c0_i32 = arith.constant 0 : i32
    %c0_i32_0 = arith.constant 0 : i32
    %c0_i32_1 = arith.constant 0 : i32
    return %arg0, %c0_i32, %c0_i32_0 : i32, i32, i32
  }
  func.func @transform_2(%arg0: i32) -> (i32, i32, i32) {
    %c0_i32 = arith.constant 0 : i32
    %c0_i32_0 = arith.constant 0 : i32
    %c0_i32_1 = arith.constant 0 : i32
    return %arg0, %c0_i32, %c0_i32_0 : i32, i32, i32
  }
}

module attributes {stable_mosaic.version = 14 : i64} {
  func.func @_fps_body(%arg0: i32, %arg1: memref<1x3x8x128xf32, #tpu.memory_space<vmem>>, %arg2: memref<1x1x512xi32, #tpu.memory_space<smem>>, %arg3: memref<1x3x512xf32, #tpu.memory_space<smem>>, %arg4: memref<8x128xf32, #tpu.memory_space<vmem>>) attributes {dimension_semantics = [#tpu.dimension_semantics<arbitrary>], iteration_bounds = array<i64: 2>, scalar_prefetch = 0 : i64, scratch_operands = 1 : i64, tpu.core_type = #tpu.core_type<tc>, window_params = [{transform_indices = @transform_0, window_bounds = array<i64: 1, 3, 8, 128>}, {transform_indices = @transform_1, window_bounds = array<i64: 1, 1, 512>}, {transform_indices = @transform_2, window_bounds = array<i64: 1, 3, 512>}]} {
    %get3A = arith.constant 0 : index
    %get3A_0 = arith.constant 0 : index
    %get3A_1 = arith.constant 0 : index
    %get3A_2 = arith.constant 0 : index
    %get3A_3 = vector.load %arg1[%get3A, %get3A_0, %get3A_1, %get3A_2] : memref<1x3x8x128xf32, #tpu.memory_space<vmem>>, vector<1x1x8x128xf32>
    %get3A_4 = vector.shape_cast %get3A_3 : vector<1x1x8x128xf32> to vector<8x128xf32>
    %get3A_5 = arith.constant 0 : index
    %get3A_6 = arith.constant 1 : index
    %get3A_7 = arith.constant 0 : index
    %get3A_8 = arith.constant 0 : index
    %get3A_9 = vector.load %arg1[%get3A_5, %get3A_6, %get3A_7, %get3A_8] : memref<1x3x8x128xf32, #tpu.memory_space<vmem>>, vector<1x1x8x128xf32>
    %get3A_10 = vector.shape_cast %get3A_9 : vector<1x1x8x128xf32> to vector<8x128xf32>
    %get3A_11 = arith.constant 0 : index
    %get3A_12 = arith.constant 2 : index
    %get3A_13 = arith.constant 0 : index
    %get3A_14 = arith.constant 0 : index
    %get3A_15 = vector.load %arg1[%get3A_11, %get3A_12, %get3A_13, %get3A_14] : memref<1x3x8x128xf32, #tpu.memory_space<vmem>>, vector<1x1x8x128xf32>
    %get3A_16 = vector.shape_cast %get3A_15 : vector<1x1x8x128xf32> to vector<8x128xf32>
    %iota3A = tpu.iota {dimensions = array<i32: 0>} : vector<8x128xi32>
    %mul3A = arith.constant 128 : i32
    %mul3A_17 = vector.broadcast %mul3A : i32 to vector<8x128xi32>
    %mul3A_18 = arith.muli %iota3A, %mul3A_17 : vector<8x128xi32>
    %iota3A_19 = tpu.iota {dimensions = array<i32: 1>} : vector<8x128xi32>
    %add3A = arith.addi %mul3A_18, %iota3A_19 : vector<8x128xi32>
    %broadcast_in_dim3A = arith.constant 1.000000e+10 : f32
    %broadcast_in_dim3A_20 = vector.broadcast %broadcast_in_dim3A : f32 to vector<8x128xf32>
    %swap3A = arith.constant 0 : index
    %swap3A_21 = arith.constant 0 : index
    %swap3A_22 = vector.load %arg4[%swap3A, %swap3A_21] : memref<8x128xf32, #tpu.memory_space<vmem>>, vector<8x128xf32>
    tpu.vector_store %arg4[%swap3A, %swap3A_21], %broadcast_in_dim3A_20 {strides = array<i32>} : memref<8x128xf32, #tpu.memory_space<vmem>>, vector<8x128xf32>,
    %scan3A = arith.constant 0 : i32
    %scan3A_23 = arith.constant 0 : i32
    %scan3A_24 = arith.constant 512 : i32
    %scan3A_25 = arith.addi %scan3A_23, %scan3A_24 : i32
    %scan3A_26 = arith.constant 1 : i32
    %scan3A_27 = scf.for %scan3A_29 = %scan3A_23 to %scan3A_25 step %scan3A_26 iter_args(%scan3A_30 = %scan3A) -> (i32)  : i32 {
      %eq3A = vector.broadcast %scan3A_30 : i32 to vector<8x128xi32>
      %eq3A_31 = arith.cmpi eq, %add3A, %eq3A : vector<8x128xi32>
      %jit3A = arith.constant 0.000000e+00 : f32
      %broadcast_in_dim3A_32 = vector.broadcast %jit3A : f32 to vector<8x128xf32>
      %select_n3A = arith.select %eq3A_31, %get3A_4, %broadcast_in_dim3A_32 : vector<8x128xi1>, vector<8x128xf32>
      %reduce_sum3A = vector.shape_cast %select_n3A : vector<8x128xf32> to vector<1x8x128xf32>
      %reduce_sum3A_33 = arith.constant dense<0.000000e+00> : vector<1xf32>
      %reduce_sum3A_34 = vector.multi_reduction <add>, %reduce_sum3A, %reduce_sum3A_33 [1, 2] : vector<1x8x128xf32> to vector<1xf32>
      %reduce_sum3A_35 = vector.shape_cast %reduce_sum3A_34 : vector<1xf32> to vector<1x1x1xf32>
      %reduce_sum3A_36 = vector.extract %reduce_sum3A_35[0, 0, 0] : f32 from vector<1x1x1xf32>
      %jit3A_37 = arith.constant 0.000000e+00 : f32
      %broadcast_in_dim3A_38 = vector.broadcast %jit3A_37 : f32 to vector<8x128xf32>
      %select_n3A_39 = arith.select %eq3A_31, %get3A_10, %broadcast_in_dim3A_38 : vector<8x128xi1>, vector<8x128xf32>
      %reduce_sum3A_40 = vector.shape_cast %select_n3A_39 : vector<8x128xf32> to vector<1x8x128xf32>
      %reduce_sum3A_41 = arith.constant dense<0.000000e+00> : vector<1xf32>
      %reduce_sum3A_42 = vector.multi_reduction <add>, %reduce_sum3A_40, %reduce_sum3A_41 [1, 2] : vector<1x8x128xf32> to vector<1xf32>
      %reduce_sum3A_43 = vector.shape_cast %reduce_sum3A_42 : vector<1xf32> to vector<1x1x1xf32>
      %reduce_sum3A_44 = vector.extract %reduce_sum3A_43[0, 0, 0] : f32 from vector<1x1x1xf32>
      %jit3A_45 = arith.constant 0.000000e+00 : f32
      %broadcast_in_dim3A_46 = vector.broadcast %jit3A_45 : f32 to vector<8x128xf32>
      %select_n3A_47 = arith.select %eq3A_31, %get3A_16, %broadcast_in_dim3A_46 : vector<8x128xi1>, vector<8x128xf32>
      %reduce_sum3A_48 = vector.shape_cast %select_n3A_47 : vector<8x128xf32> to vector<1x8x128xf32>
      %reduce_sum3A_49 = arith.constant dense<0.000000e+00> : vector<1xf32>
      %reduce_sum3A_50 = vector.multi_reduction <add>, %reduce_sum3A_48, %reduce_sum3A_49 [1, 2] : vector<1x8x128xf32> to vector<1xf32>
      %reduce_sum3A_51 = vector.shape_cast %reduce_sum3A_50 : vector<1xf32> to vector<1x1x1xf32>
      %reduce_sum3A_52 = vector.extract %reduce_sum3A_51[0, 0, 0] : f32 from vector<1x1x1xf32>
      %swap3A_53 = arith.constant 0 : index
      %swap3A_54 = arith.constant 0 : index
      %swap3A_55 = arith.index_cast %scan3A_29 : i32 to index
      %swap3A_56 = memref.load %arg2[%swap3A_53, %swap3A_54, %swap3A_55] : memref<1x1x512xi32, #tpu.memory_space<smem>>
      memref.store %scan3A_30, %arg2[%swap3A_53, %swap3A_54, %swap3A_55] : memref<1x1x512xi32, #tpu.memory_space<smem>>
      %swap3A_57 = arith.constant 0 : index
      %swap3A_58 = arith.constant 0 : index
      %swap3A_59 = arith.index_cast %scan3A_29 : i32 to index
      %swap3A_60 = memref.load %arg3[%swap3A_57, %swap3A_58, %swap3A_59] : memref<1x3x512xf32, #tpu.memory_space<smem>>
      memref.store %reduce_sum3A_36, %arg3[%swap3A_57, %swap3A_58, %swap3A_59] : memref<1x3x512xf32, #tpu.memory_space<smem>>
      %swap3A_61 = arith.constant 0 : index
      %swap3A_62 = arith.constant 1 : index
      %swap3A_63 = arith.index_cast %scan3A_29 : i32 to index
      %swap3A_64 = memref.load %arg3[%swap3A_61, %swap3A_62, %swap3A_63] : memref<1x3x512xf32, #tpu.memory_space<smem>>
      memref.store %reduce_sum3A_44, %arg3[%swap3A_61, %swap3A_62, %swap3A_63] : memref<1x3x512xf32, #tpu.memory_space<smem>>
      %swap3A_65 = arith.constant 0 : index
      %swap3A_66 = arith.constant 2 : index
      %swap3A_67 = arith.index_cast %scan3A_29 : i32 to index
      %swap3A_68 = memref.load %arg3[%swap3A_65, %swap3A_66, %swap3A_67] : memref<1x3x512xf32, #tpu.memory_space<smem>>
      memref.store %reduce_sum3A_52, %arg3[%swap3A_65, %swap3A_66, %swap3A_67] : memref<1x3x512xf32, #tpu.memory_space<smem>>
      %sub3A = vector.broadcast %reduce_sum3A_36 : f32 to vector<8x128xf32>
      %sub3A_69 = arith.subf %get3A_4, %sub3A : vector<8x128xf32>
      %sub3A_70 = vector.broadcast %reduce_sum3A_44 : f32 to vector<8x128xf32>
      %sub3A_71 = arith.subf %get3A_10, %sub3A_70 : vector<8x128xf32>
      %sub3A_72 = vector.broadcast %reduce_sum3A_52 : f32 to vector<8x128xf32>
      %sub3A_73 = arith.subf %get3A_16, %sub3A_72 : vector<8x128xf32>
      %mul3A_74 = arith.mulf %sub3A_69, %sub3A_69 : vector<8x128xf32>
      %mul3A_75 = arith.mulf %sub3A_71, %sub3A_71 : vector<8x128xf32>
      %add3A_76 = arith.addf %mul3A_74, %mul3A_75 : vector<8x128xf32>
      %mul3A_77 = arith.mulf %sub3A_73, %sub3A_73 : vector<8x128xf32>
      %add3A_78 = arith.addf %add3A_76, %mul3A_77 : vector<8x128xf32>
      %get3A_79 = arith.constant 0 : index
      %get3A_80 = arith.constant 0 : index
      %get3A_81 = vector.load %arg4[%get3A_79, %get3A_80] : memref<8x128xf32, #tpu.memory_space<vmem>>, vector<8x128xf32>
      %min3A = arith.minimumf %get3A_81, %add3A_78 : vector<8x128xf32>
      %swap3A_82 = arith.constant 0 : index
      %swap3A_83 = arith.constant 0 : index
      %swap3A_84 = vector.load %arg4[%swap3A_82, %swap3A_83] : memref<8x128xf32, #tpu.memory_space<vmem>>, vector<8x128xf32>
      tpu.vector_store %arg4[%swap3A_82, %swap3A_83], %min3A {strides = array<i32>} : memref<8x128xf32, #tpu.memory_space<vmem>>, vector<8x128xf32>,
      %reduce_max3A = vector.shape_cast %min3A : vector<8x128xf32> to vector<1x8x128xf32>
      %reduce_max3A_85 = arith.constant dense<0xFF800000> : vector<1xf32>
      %reduce_max3A_86 = vector.multi_reduction <maximumf>, %reduce_max3A, %reduce_max3A_85 [1, 2] : vector<1x8x128xf32> to vector<1xf32>
      %reduce_max3A_87 = vector.shape_cast %reduce_max3A_86 : vector<1xf32> to vector<1x1x1xf32>
      %reduce_max3A_88 = vector.extract %reduce_max3A_87[0, 0, 0] : f32 from vector<1x1x1xf32>
      %eq3A_89 = vector.broadcast %reduce_max3A_88 : f32 to vector<8x128xf32>
      %eq3A_90 = arith.cmpf oeq, %min3A, %eq3A_89 : vector<8x128xf32>
      %jit3A_91 = arith.constant 1024 : i32
      %broadcast_in_dim3A_92 = vector.broadcast %jit3A_91 : i32 to vector<8x128xi32>
      %select_n3A_93 = arith.select %eq3A_90, %add3A, %broadcast_in_dim3A_92 : vector<8x128xi1>, vector<8x128xi32>
      %reduce_min3A = vector.shape_cast %select_n3A_93 : vector<8x128xi32> to vector<1x8x128xi32>
      %reduce_min3A_94 = arith.constant dense<2147483647> : vector<1xi32>
      %reduce_min3A_95 = vector.multi_reduction <minsi>, %reduce_min3A, %reduce_min3A_94 [1, 2] : vector<1x8x128xi32> to vector<1xi32>
      %reduce_min3A_96 = vector.shape_cast %reduce_min3A_95 : vector<1xi32> to vector<1x1x1xi32>
      %reduce_min3A_97 = vector.extract %reduce_min3A_96[0, 0, 0] : i32 from vector<1x1x1xi32>
      scf.yield %reduce_min3A_97 : i32
    }
    %scan3A_28 = arith.constant 512 : i32
    return
  }
  func.func @transform_0(%arg0: i32) -> (i32, i32, i32, i32) {
    %c0_i32 = arith.constant 0 : i32
    %c0_i32_0 = arith.constant 0 : i32
    %c0_i32_1 = arith.constant 0 : i32
    %c0_i32_2 = arith.constant 0 : i32
    return %arg0, %c0_i32, %c0_i32_0, %c0_i32_1 : i32, i32, i32, i32
  }
  func.func @transform_1(%arg0: i32) -> (i32, i32, i32) {
    %c0_i32 = arith.constant 0 : i32
    %c0_i32_0 = arith.constant 0 : i32
    %c0_i32_1 = arith.constant 0 : i32
    return %arg0, %c0_i32, %c0_i32_0 : i32, i32, i32
  }
  func.func @transform_2(%arg0: i32) -> (i32, i32, i32) {
    %c0_i32 = arith.constant 0 : i32
    %c0_i32_0 = arith.constant 0 : i32
    %c0_i32_1 = arith.constant 0 : i32
    return %arg0, %c0_i32, %c0_i32_0 : i32, i32, i32
  }
}

module attributes {stable_mosaic.version = 14 : i64} {
  func.func @_fps_body(%arg0: i32, %arg1: memref<1x3x8x64xf32, #tpu.memory_space<vmem>>, %arg2: memref<1x1x256xi32, #tpu.memory_space<smem>>, %arg3: memref<1x3x256xf32, #tpu.memory_space<smem>>, %arg4: memref<8x64xf32, #tpu.memory_space<vmem>>) attributes {dimension_semantics = [#tpu.dimension_semantics<arbitrary>], iteration_bounds = array<i64: 2>, scalar_prefetch = 0 : i64, scratch_operands = 1 : i64, tpu.core_type = #tpu.core_type<tc>, window_params = [{transform_indices = @transform_0, window_bounds = array<i64: 1, 3, 8, 64>}, {transform_indices = @transform_1, window_bounds = array<i64: 1, 1, 256>}, {transform_indices = @transform_2, window_bounds = array<i64: 1, 3, 256>}]} {
    %get3A = arith.constant 0 : index
    %get3A_0 = arith.constant 0 : index
    %get3A_1 = arith.constant 0 : index
    %get3A_2 = arith.constant 0 : index
    %get3A_3 = vector.load %arg1[%get3A, %get3A_0, %get3A_1, %get3A_2] : memref<1x3x8x64xf32, #tpu.memory_space<vmem>>, vector<1x1x8x64xf32>
    %get3A_4 = vector.shape_cast %get3A_3 : vector<1x1x8x64xf32> to vector<8x64xf32>
    %get3A_5 = arith.constant 0 : index
    %get3A_6 = arith.constant 1 : index
    %get3A_7 = arith.constant 0 : index
    %get3A_8 = arith.constant 0 : index
    %get3A_9 = vector.load %arg1[%get3A_5, %get3A_6, %get3A_7, %get3A_8] : memref<1x3x8x64xf32, #tpu.memory_space<vmem>>, vector<1x1x8x64xf32>
    %get3A_10 = vector.shape_cast %get3A_9 : vector<1x1x8x64xf32> to vector<8x64xf32>
    %get3A_11 = arith.constant 0 : index
    %get3A_12 = arith.constant 2 : index
    %get3A_13 = arith.constant 0 : index
    %get3A_14 = arith.constant 0 : index
    %get3A_15 = vector.load %arg1[%get3A_11, %get3A_12, %get3A_13, %get3A_14] : memref<1x3x8x64xf32, #tpu.memory_space<vmem>>, vector<1x1x8x64xf32>
    %get3A_16 = vector.shape_cast %get3A_15 : vector<1x1x8x64xf32> to vector<8x64xf32>
    %iota3A = tpu.iota {dimensions = array<i32: 0>} : vector<8x64xi32>
    %mul3A = arith.constant 64 : i32
    %mul3A_17 = vector.broadcast %mul3A : i32 to vector<8x64xi32>
    %mul3A_18 = arith.muli %iota3A, %mul3A_17 : vector<8x64xi32>
    %iota3A_19 = tpu.iota {dimensions = array<i32: 1>} : vector<8x64xi32>
    %add3A = arith.addi %mul3A_18, %iota3A_19 : vector<8x64xi32>
    %broadcast_in_dim3A = arith.constant 1.000000e+10 : f32
    %broadcast_in_dim3A_20 = vector.broadcast %broadcast_in_dim3A : f32 to vector<8x64xf32>
    %swap3A = arith.constant 0 : index
    %swap3A_21 = arith.constant 0 : index
    %swap3A_22 = vector.load %arg4[%swap3A, %swap3A_21] : memref<8x64xf32, #tpu.memory_space<vmem>>, vector<8x64xf32>
    tpu.vector_store %arg4[%swap3A, %swap3A_21], %broadcast_in_dim3A_20 {strides = array<i32>} : memref<8x64xf32, #tpu.memory_space<vmem>>, vector<8x64xf32>,
    %scan3A = arith.constant 0 : i32
    %scan3A_23 = arith.constant 0 : i32
    %scan3A_24 = arith.constant 256 : i32
    %scan3A_25 = arith.addi %scan3A_23, %scan3A_24 : i32
    %scan3A_26 = arith.constant 1 : i32
    %scan3A_27 = scf.for %scan3A_29 = %scan3A_23 to %scan3A_25 step %scan3A_26 iter_args(%scan3A_30 = %scan3A) -> (i32)  : i32 {
      %eq3A = vector.broadcast %scan3A_30 : i32 to vector<8x64xi32>
      %eq3A_31 = arith.cmpi eq, %add3A, %eq3A : vector<8x64xi32>
      %jit3A = arith.constant 0.000000e+00 : f32
      %broadcast_in_dim3A_32 = vector.broadcast %jit3A : f32 to vector<8x64xf32>
      %select_n3A = arith.select %eq3A_31, %get3A_4, %broadcast_in_dim3A_32 : vector<8x64xi1>, vector<8x64xf32>
      %reduce_sum3A = vector.shape_cast %select_n3A : vector<8x64xf32> to vector<1x8x64xf32>
      %reduce_sum3A_33 = arith.constant dense<0.000000e+00> : vector<1xf32>
      %reduce_sum3A_34 = vector.multi_reduction <add>, %reduce_sum3A, %reduce_sum3A_33 [1, 2] : vector<1x8x64xf32> to vector<1xf32>
      %reduce_sum3A_35 = vector.shape_cast %reduce_sum3A_34 : vector<1xf32> to vector<1x1x1xf32>
      %reduce_sum3A_36 = vector.extract %reduce_sum3A_35[0, 0, 0] : f32 from vector<1x1x1xf32>
      %jit3A_37 = arith.constant 0.000000e+00 : f32
      %broadcast_in_dim3A_38 = vector.broadcast %jit3A_37 : f32 to vector<8x64xf32>
      %select_n3A_39 = arith.select %eq3A_31, %get3A_10, %broadcast_in_dim3A_38 : vector<8x64xi1>, vector<8x64xf32>
      %reduce_sum3A_40 = vector.shape_cast %select_n3A_39 : vector<8x64xf32> to vector<1x8x64xf32>
      %reduce_sum3A_41 = arith.constant dense<0.000000e+00> : vector<1xf32>
      %reduce_sum3A_42 = vector.multi_reduction <add>, %reduce_sum3A_40, %reduce_sum3A_41 [1, 2] : vector<1x8x64xf32> to vector<1xf32>
      %reduce_sum3A_43 = vector.shape_cast %reduce_sum3A_42 : vector<1xf32> to vector<1x1x1xf32>
      %reduce_sum3A_44 = vector.extract %reduce_sum3A_43[0, 0, 0] : f32 from vector<1x1x1xf32>
      %jit3A_45 = arith.constant 0.000000e+00 : f32
      %broadcast_in_dim3A_46 = vector.broadcast %jit3A_45 : f32 to vector<8x64xf32>
      %select_n3A_47 = arith.select %eq3A_31, %get3A_16, %broadcast_in_dim3A_46 : vector<8x64xi1>, vector<8x64xf32>
      %reduce_sum3A_48 = vector.shape_cast %select_n3A_47 : vector<8x64xf32> to vector<1x8x64xf32>
      %reduce_sum3A_49 = arith.constant dense<0.000000e+00> : vector<1xf32>
      %reduce_sum3A_50 = vector.multi_reduction <add>, %reduce_sum3A_48, %reduce_sum3A_49 [1, 2] : vector<1x8x64xf32> to vector<1xf32>
      %reduce_sum3A_51 = vector.shape_cast %reduce_sum3A_50 : vector<1xf32> to vector<1x1x1xf32>
      %reduce_sum3A_52 = vector.extract %reduce_sum3A_51[0, 0, 0] : f32 from vector<1x1x1xf32>
      %swap3A_53 = arith.constant 0 : index
      %swap3A_54 = arith.constant 0 : index
      %swap3A_55 = arith.index_cast %scan3A_29 : i32 to index
      %swap3A_56 = memref.load %arg2[%swap3A_53, %swap3A_54, %swap3A_55] : memref<1x1x256xi32, #tpu.memory_space<smem>>
      memref.store %scan3A_30, %arg2[%swap3A_53, %swap3A_54, %swap3A_55] : memref<1x1x256xi32, #tpu.memory_space<smem>>
      %swap3A_57 = arith.constant 0 : index
      %swap3A_58 = arith.constant 0 : index
      %swap3A_59 = arith.index_cast %scan3A_29 : i32 to index
      %swap3A_60 = memref.load %arg3[%swap3A_57, %swap3A_58, %swap3A_59] : memref<1x3x256xf32, #tpu.memory_space<smem>>
      memref.store %reduce_sum3A_36, %arg3[%swap3A_57, %swap3A_58, %swap3A_59] : memref<1x3x256xf32, #tpu.memory_space<smem>>
      %swap3A_61 = arith.constant 0 : index
      %swap3A_62 = arith.constant 1 : index
      %swap3A_63 = arith.index_cast %scan3A_29 : i32 to index
      %swap3A_64 = memref.load %arg3[%swap3A_61, %swap3A_62, %swap3A_63] : memref<1x3x256xf32, #tpu.memory_space<smem>>
      memref.store %reduce_sum3A_44, %arg3[%swap3A_61, %swap3A_62, %swap3A_63] : memref<1x3x256xf32, #tpu.memory_space<smem>>
      %swap3A_65 = arith.constant 0 : index
      %swap3A_66 = arith.constant 2 : index
      %swap3A_67 = arith.index_cast %scan3A_29 : i32 to index
      %swap3A_68 = memref.load %arg3[%swap3A_65, %swap3A_66, %swap3A_67] : memref<1x3x256xf32, #tpu.memory_space<smem>>
      memref.store %reduce_sum3A_52, %arg3[%swap3A_65, %swap3A_66, %swap3A_67] : memref<1x3x256xf32, #tpu.memory_space<smem>>
      %sub3A = vector.broadcast %reduce_sum3A_36 : f32 to vector<8x64xf32>
      %sub3A_69 = arith.subf %get3A_4, %sub3A : vector<8x64xf32>
      %sub3A_70 = vector.broadcast %reduce_sum3A_44 : f32 to vector<8x64xf32>
      %sub3A_71 = arith.subf %get3A_10, %sub3A_70 : vector<8x64xf32>
      %sub3A_72 = vector.broadcast %reduce_sum3A_52 : f32 to vector<8x64xf32>
      %sub3A_73 = arith.subf %get3A_16, %sub3A_72 : vector<8x64xf32>
      %mul3A_74 = arith.mulf %sub3A_69, %sub3A_69 : vector<8x64xf32>
      %mul3A_75 = arith.mulf %sub3A_71, %sub3A_71 : vector<8x64xf32>
      %add3A_76 = arith.addf %mul3A_74, %mul3A_75 : vector<8x64xf32>
      %mul3A_77 = arith.mulf %sub3A_73, %sub3A_73 : vector<8x64xf32>
      %add3A_78 = arith.addf %add3A_76, %mul3A_77 : vector<8x64xf32>
      %get3A_79 = arith.constant 0 : index
      %get3A_80 = arith.constant 0 : index
      %get3A_81 = vector.load %arg4[%get3A_79, %get3A_80] : memref<8x64xf32, #tpu.memory_space<vmem>>, vector<8x64xf32>
      %min3A = arith.minimumf %get3A_81, %add3A_78 : vector<8x64xf32>
      %swap3A_82 = arith.constant 0 : index
      %swap3A_83 = arith.constant 0 : index
      %swap3A_84 = vector.load %arg4[%swap3A_82, %swap3A_83] : memref<8x64xf32, #tpu.memory_space<vmem>>, vector<8x64xf32>
      tpu.vector_store %arg4[%swap3A_82, %swap3A_83], %min3A {strides = array<i32>} : memref<8x64xf32, #tpu.memory_space<vmem>>, vector<8x64xf32>,
      %reduce_max3A = vector.shape_cast %min3A : vector<8x64xf32> to vector<1x8x64xf32>
      %reduce_max3A_85 = arith.constant dense<0xFF800000> : vector<1xf32>
      %reduce_max3A_86 = vector.multi_reduction <maximumf>, %reduce_max3A, %reduce_max3A_85 [1, 2] : vector<1x8x64xf32> to vector<1xf32>
      %reduce_max3A_87 = vector.shape_cast %reduce_max3A_86 : vector<1xf32> to vector<1x1x1xf32>
      %reduce_max3A_88 = vector.extract %reduce_max3A_87[0, 0, 0] : f32 from vector<1x1x1xf32>
      %eq3A_89 = vector.broadcast %reduce_max3A_88 : f32 to vector<8x64xf32>
      %eq3A_90 = arith.cmpf oeq, %min3A, %eq3A_89 : vector<8x64xf32>
      %jit3A_91 = arith.constant 512 : i32
      %broadcast_in_dim3A_92 = vector.broadcast %jit3A_91 : i32 to vector<8x64xi32>
      %select_n3A_93 = arith.select %eq3A_90, %add3A, %broadcast_in_dim3A_92 : vector<8x64xi1>, vector<8x64xi32>
      %reduce_min3A = vector.shape_cast %select_n3A_93 : vector<8x64xi32> to vector<1x8x64xi32>
      %reduce_min3A_94 = arith.constant dense<2147483647> : vector<1xi32>
      %reduce_min3A_95 = vector.multi_reduction <minsi>, %reduce_min3A, %reduce_min3A_94 [1, 2] : vector<1x8x64xi32> to vector<1xi32>
      %reduce_min3A_96 = vector.shape_cast %reduce_min3A_95 : vector<1xi32> to vector<1x1x1xi32>
      %reduce_min3A_97 = vector.extract %reduce_min3A_96[0, 0, 0] : i32 from vector<1x1x1xi32>
      scf.yield %reduce_min3A_97 : i32
    }
    %scan3A_28 = arith.constant 256 : i32
    return
  }
  func.func @transform_0(%arg0: i32) -> (i32, i32, i32, i32) {
    %c0_i32 = arith.constant 0 : i32
    %c0_i32_0 = arith.constant 0 : i32
    %c0_i32_1 = arith.constant 0 : i32
    %c0_i32_2 = arith.constant 0 : i32
    return %arg0, %c0_i32, %c0_i32_0, %c0_i32_1 : i32, i32, i32, i32
  }
  func.func @transform_1(%arg0: i32) -> (i32, i32, i32) {
    %c0_i32 = arith.constant 0 : i32
    %c0_i32_0 = arith.constant 0 : i32
    %c0_i32_1 = arith.constant 0 : i32
    return %arg0, %c0_i32, %c0_i32_0 : i32, i32, i32
  }
  func.func @transform_2(%arg0: i32) -> (i32, i32, i32) {
    %c0_i32 = arith.constant 0 : i32
    %c0_i32_0 = arith.constant 0 : i32
    %c0_i32_1 = arith.constant 0 : i32
    return %arg0, %c0_i32, %c0_i32_0 : i32, i32, i32
  }
}

</mosaic_0001>

<sc_bundles>
// kernel: sparse-core-data-format-call.cloned.1.call-start
scs
called_computation_lowered:
.L_overlay_start_0:
0x0: {  	s1 =	sld [smem:$0x3FD9]  }
0x1: {  	s2 =	sld [smem:$0x3FFE];
	_ =	sdelay $0x1  }
0x2: {  	s3 =	srdreg.scid  }
0x3: {  	s0 =	sand.u32 $0x1, s3  }
0x4: {  	s17 =	sshll.u32 s0, $0xA;
	s1 =	sadd.s32 s2, s1  }
0x5: {  	s1 =	sadd.s32 s1, s17  }
0x6: {  	[smem:$0x3F97] =	sst s1  }
0x7: {  	_ = 	snop  }
0x8: {  	(tm) =	ssettm $0x1  }
0x9: {  	s18 =	sld [smem:$0x3FFB];
	_ =	sdelay $0x3  }
0xa: {  	_ =	strace s18  }
0xb: {  	s1 =	sld [smem:$0x3FFC];
	_ =	sdelay $0x3  }
0xc: {  	_ =	strace s1  }
0xd: {  	s1 =	sld [smem:$0x3FFD];
	_ =	sdelay $0x3  }
0xe: {  	_ =	strace s1  }
0xf: {  	_ =	strace $0x8FFFFFFF  }
0x10: {  	s19 =	sld [smem:$0x3FDB];
	_ =	sdelay $0x1  }
0x11: {  	s20 =	simm.s32 $_scs_section_size  }
0x12: {  	s4 =	simm.s32 $_size__tile_overlayer_lowered;
	s5 =	simm.s32 $_tile_overlayer_lowered  }
0x13: {  	s23 =	simm.s32 $0x1BFF;
	s22 =	sshll.u32 s5, $0x1;
	s1 =	sadd.s32 s20, s19  }
0x14: {  	s6 =	simm.s32 $0x0;
	s21 =	sshll.u32 s4, $0x1;
	s4 =	sadd.s32 s22, s1  }
0x15: {  	[timem:s6], [sflag:s23] =	dma.local [hbm:s4], s21  }
0x16: {  	_ =	swait.ge [sflag:s23], s21  }
0x17: {  	s2 =	ssub.s32 $0x0, s21;
	[sflag:s23] =	ssyncset.done $0x0  }
0x18: {  	[sflag:s23] =	ssyncadd.s32 s2;
	_ =	sdelay $0x1  }
0x19: {  	s24 =	simm.s32 $0x1B8B  }
0x1a: {  	_ =	swait.ge [sflag:s24], $0x1  }
0x1b: {  	[sflag:s24] =	ssyncset.done $0x0  }
0x1c: {  	s26 =	simm.s32 $0x1B8E;
	s25 =	sld [smem:$0x3FFE];
	[sflag:s24] =	ssyncadd.s32 $0xFFFFFFFF  }
0x1d: {  	s27 =	simm.s32 $execute0_lowered;
	[smem:$0x3FD2] =	sst s26  }
0x1e: {  	s4 =	sshll.u32 s27, $0x1;
	_ =	strace $0x80000046;
	[dreg:$0x1] =	wrdreg $0xFFFFFFFF  }
0x1f: {  	s28 =	simm.s32 $_size_execute0_lowered;
	s1 =	sadd.s32 s1, s4;
	[dreg:$0x0] =	wrdreg $0x0  }
0x20: {  	s4 =	sshll.u32 s28, $0x1;
	[dreg:$0x2] =	wrdreg s1  }
0x21: {  	[dreg:$0x3] =	wrdreg s4  }
0x22: {  	[dreg:$0x4] =	wrdreg $0xC0  }
0x23: {  	_ =	task [dreg:s6], $0x5FFFF  }
0x24: {  	[dreg:$0x1] =	wrdreg $0xFFFFFFFF  }
0x25: {  	[dreg:$0x0] =	wrdreg $0x60  }
0x26: {  	[dreg:$0x2] =	wrdreg s25  }
0x27: {  	[dreg:$0x3] =	wrdreg $0x9  }
0x28: {  	_ =	task.clear_ibuf [dreg:s6], $0x4FFFF;
	_ =	strace $0x90000046  }
0x29: {  	s29 =	simm.s32 $0x9;
	_ =	strace $0x80000048  }
0x2a: {  	_ =	swait.ge [sflag:s29], $0x1  }
0x2b: {  	[sflag:s29] =	ssyncadd.s32 $0xFFFFFFFF  }
0x2c: {  	_ =	strace $0x90000048  }
0x2d: {  	_ =	sfence  }
0x2e: {  	s30 =	sld [smem:$0x0];
	_ =	sdelay $0x2  }
0x2f: {  	s31 =	sshll.u32 s3, $0xD;
	s3 =	sshrl.u32 s3, $0x2  }
0x30: {  	s2 =	sand.u32 $0x4000, s31;
	s1 =	sadd.s32 s3, s30  }
0x31: {  	s0 =	sor.u32 s2, s0;
	s1 =	sshll.u32 s1, $0x11  }
0x32: {  	s0 =	sor.u32 s1, s0  }
0x33: {  	s0 =	sadd.s32 $0x8F2B, s0  }
0x34: {  	[sflag:s0] =	ssyncadd.remote.s32 $0x1  }
0x35: {  	_ =	sfence.sel $0xFFFF  }
0x36: {  	[dreg:$0x0] =	wrdreg $0xFFFFFFFF;
	(pc) =	sbr.abs _section_cstart, $3  }
0x37: {  	[dreg:$0x1] =	wrdreg $0xFFFFFFFF  }
0x38: {  	_ =	task.clear_ibuf [dreg:s6], $0x2FFFF;
	_ =	strace $0x9FFFFFFF  }
0x39: {  	(tm) =	ssettm $0x7FFFFFFF  }
tec
execute0_lowered:
.L_overlay_start_1:
0x0: {  	(tag) =	ssettag $0x1  }
0x1: {  	s0 =	stileid.u32  }
0x2: {  	s1 =	srdreg.scid;
	s5 =	rddreg [dreg:$0x0];
	s31 =	simm.s32 $0x2  }
0x3: {  	s16 =	simm.s32 $0x0;
	s2 =	sshll.u32 s0, $0x6;
	s1 =	sshll.u32 s1, $0xA  }
0x4: {  	s9 =	simm.s32 $0x4000;
	s14 =	simm.s32 $0x0;
	s1 =	sor.u32 s2, s1  }
0x5: {  	s15 =	simm.s32 $0x0;
	s10 =	simm.s32 $0x0;
	s1 =	sand.u32 $0x780, s1  }
0x6: {  	s13 =	simm.s32 $0x0;
	s2 =	sand.u32 $0x1, s0;
	s3 =	ssub.s32 $0x800, s1  }
0x7: {  	s4 =	ssub.s32 $0x2, s2;
	s12 =	smov.u32 s2;
	s6 =	sand.u32 $0x780, s3  }
0x8: {  	s7 =	sshrl.u32 s4, $0x1;
	p0 =	sne.s32 s6, $0x0;
	s6 =	simm.s32 $0x1  }
0x9: {  	s4 =	sand.u32 $0x1, s4;
	s8 =	sshrl.u32 s3, $0xB;
	s6 =	simm.s32 @!p0 $0x0  }
.Ltmp0:
0xa: {  	s4 =	sadd.s32 s4, s7;
	s6 =	sadd.s32 s6, s8;
	(pc) =	sbr.rel .LBB1_1-.Ltmp0, $4  }
0xb: {  	s11 =	smov.u32 s1;
	s3 =	rddreg [dreg:$0x1];
	s7 =	smul.u32 s6, s4  }
0xc: {  	_ =	strace $0x80000047;
	p0 =	por $0x0, $0x0;
	s6 =	simm.s32 $0x1  }
0xd: {  	s4 =	sadd.s32 $0xA00, s5;
	[sflag:s6] =	ssyncpa.u1 $0x0;
	s7 =	sshll.u32 s7, $0x7  }
0xe: {  	s5 =	sadd.s32 $0x800A00, s5;
	[sflag:s31] =	ssyncpa.u1 $0x0;
	s8 =	sor.u32 $0x1, s7  }
.LBB1_4:
0xf: {  	v5 =	vld [tilespmem:s19+$0xFFFFFFD0]  }
0x10: {  	[tilespmem:s20+$0x2040 ss:$0x81] =	vst.msk $0xffff, v1;
	v58 =	vld [tilespmem:s19+$0xFFFFFFE0]  }
0x11: {  	[tilespmem:s20+$0x2850 ss:$0x81] =	vst.msk $0xffff, v2;
	v59 =	vld [tilespmem:s19+$0xFFFFFFF0]  }
0x12: {  	s21 =	sshra.s32 s21, $0x2;
	[tilespmem:s20+$0x3060 ss:$0x81] =	vst.msk $0xffff, v3;
	v60 =	vld [tilespmem:s19+$0x0]  }
0x13: {  	[tilespmem:s20+$0x0 ss:$0x81] =	vst.msk $0xffff, v0;
	v61 =	vld [tilespmem:s19+$0x10];
	s18 =	sadd.s32 s21, s18  }
0x14: {  	s26 =	sshll.u32 s16, $0xB;
	v62 =	vld [tilespmem:s19+$0x20];
	[tilespmem:s18+$0x3870 ss:$0x81] =	vst.msk $0xffff, v4  }
0x15: {  	s27 =	sand.u32 $0x78, s14;
	s22 =	sshll.u32 s14, $0x3;
	v63 =	vld [tilespmem:s19+$0xFFFFFFC0];
	s29 =	sshll.u32 s16, $0x7;
	[tilespmem:s18+$0x810 ss:$0x81] =	vst.msk $0xffff, v5  }
0x16: {  	s15 =	sshll.u32 s15, $0x16;
	s20 =	sand.u32 $0x1FFC000, s26;
	s28 =	sand.u32 $0x1FFFC00, s22;
	[tilespmem:s18+$0x1020 ss:$0x81] =	vst.msk $0xffff, v58  }
0x17: {  	s31 =	sand.u32 $0x7, s14;
	s22 =	sand.u32 $0x400, s22;
	s19 =	sadd.s32 s28, s20;
	[tilespmem:s18+$0x1830 ss:$0x81] =	vst.msk $0xffff, v59  }
0x18: {  	s16 =	sand.u32 $0x380, s29;
	s30 =	sor.u32 s27, s22;
	s19 =	sshrl.u32 s19, $0x3;
	[tilespmem:s18+$0x2040 ss:$0x81] =	vst.msk $0xffff, v60  }
0x19: {  	s15 =	sadd.s32 s5, s15;
	s16 =	sor.u32 s16, s30;
	s19 =	sand.u32 $0x3FFF00, s19;
	[tilespmem:s18+$0x2850 ss:$0x81] =	vst.msk $0xffff, v61  }
0x1a: {  	s14 =	sshll.u32 s31, $0x12;
	s16 =	sshrl.u32 s16, $0x3;
	[tilespmem:s18+$0x3060 ss:$0x81] =	vst.msk $0xffff, v62;
	s15 =	sadd.s32 s19, s15  }
0x1b: {  	s14 =	sor.u32 $0x400, s14;
	[tilespmem:s18+$0x0 ss:$0x81] =	vst.msk $0xffff, v63;
	s15 =	sadd.s32 s16, s15  }
0x1c: {  	[hbm4b:s15+s14] =	stream.strided.scatter [tilespmem:s17], [sflag:$0x2], $0x4000, s9, s14, $0x20;
	[tilespmem:$0x10100] =	vst v63  }
.LBB1_5:
0x1d: {  	s17 =	sadd.s32 $0x80, s10  }
0x1e: {  	s14 =	sadd.s32 $0x800, s11;
	s18 =	smov.u32 s11;
	p2 =	sgt.s32 s17, $0x3FFF  }
0x1f: {  	s18 =	smov.u32 @p2 s14  }
0x20: {  	s20 =	smov.u32 s12;
	s14 =	sadd.s32 $0x2, s12;
	p3 =	sgt.s32 s18, $0x7FF  }
0x21: {  	s20 =	smov.u32 @p3 s14  }
0x22: {  	s17 =	simm.s32 @p2 $0x0;
	p2 =	sgt.s32 s20, $0x1  }
0x23: {  	p1 =	slt.u32 s13, $0x2;
	s20 =	smov.u32 @p2 s2;
	p2 =	sne.s32 s13, s8  }
.Ltmp1:
0x24: {  	s19 =	simm.s32 @!p1 $0x2;
	(pc) =	sbr.rel @!p2 .LBB1_6-.Ltmp1, $4  }
0x25: {  	s16 =	smov.u32 s10;
	s15 =	smov.u32 s12;
	_ =	swait.ge @!p1 [sflag:s19], $0x4000  }
0x26: {  	p0 =	por !p0, !p0;
	[sflag:s19] =	ssyncset.done @!p1 $0x0;
	s10 =	smov.u32 s17  }
0x27: {  	s18 =	smov.u32 @p3 s1;
	s14 =	smov.u32 s11;
	[sflag:s19] =	ssyncadd.s32 @!p1 $0xFFFFC000  }
0x28: {  	s11 =	smov.u32 s18;
	s13 =	sadd.s32 $0x1, s13;
	s12 =	smov.u32 s20  }
.LBB1_1:
0x29: {  	p1 =	sge.u32 s13, s7;
	s31 =	sadd.s32 $0xFFFFFFFF, s13  }
0x2a: {  	s17 =	sxor.u32 @!p1 $0xFFFFFFFF, s13;
	s18 =	sand.u32 @!p1 $0x78, s10;
	s19 =	sshll.u32 @!p1 s11, $0xE  }
0x2b: {  	s20 =	sshll.u32 @!p1 s11, $0x7;
	s21 =	sshll.u32 @!p1 s10, $0x3;
	s17 =	sshll.u32 @!p1 s17, $0xE  }
0x2c: {  	s19 =	sand.u32 @!p1 $0x1FE0000, s19;
	s20 =	sand.u32 @!p1 $0x380, s20;
	s17 =	sand.u32 @!p1 $0x4000, s17  }
0x2d: {  	s19 =	sadd.s32 @!p1 s19, s21;
	s21 =	sand.u32 @!p1 $0x3C00, s21;
	s18 =	sor.u32 @!p1 s20, s18  }
0x2e: {  	s20 =	sshll.u32 @!p1 s12, $0x16;
	s18 =	sor.u32 @!p1 s21, s18;
	s19 =	sshrl.u32 @!p1 s19, $0x3  }
0x2f: {  	s20 =	sadd.s32 @!p1 s4, s20;
	s21 =	sand.u32 @!p1 $0x7, s10;
	s19 =	sand.u32 @!p1 $0x3FF800, s19  }
0x30: {  	s18 =	sshrl.u32 @!p1 s18, $0x3;
	s19 =	sadd.s32 @!p1 s19, s20;
	s20 =	sshll.u32 @!p1 s21, $0x12  }
0x31: {  	s18 =	sadd.s32 @!p1 s18, s19;
	s19 =	sor.u32 @!p1 $0x400, s20;
	s20 =	simm.s32 @!p1 $0x20000  }
0x32: {  	[tilespmem:s17], [sflag:$0x1] =	stream.strided.gather @!p1 [hbm4b:s18+s19], $0x4000, s20, s19, $0x38;
	[tilespmem:$0x10100] =	vst v63  }
0x33: {  	p1 =	sge.u32 s31, s7  }
.Ltmp2:
0x34: {  	_ = 	snop;
	(pc) =	sbr.rel @p1 .LBB1_5-.Ltmp2, $1  }
0x35: {  	_ =	sdelay $0x3  }
0x36: {  	s17 =	simm.s32 $0x1  }
0x37: {  	_ =	swait.ge [sflag:s6], $0x4000;
	s17 =	simm.s32 @!p0 $0x0  }
0x38: {  	[sflag:s6] =	ssyncset.done $0x0;
	s18 =	sshll.u32 s17, $0xE  }
0x39: {  	[sflag:s6] =	ssyncadd.s32 $0xFFFFC000;
	s19 =	sor.u32 $0x40, s18  }
0x3a: {  	s17 =	smul.u32 $0x10200, s17;
	v0 =	vld [tilespmem:s19+$0x30]  }
0x3b: {  	v3 =	vld [tilespmem:s19+$0xFFFFFFD0]  }
0x3c: {  	s17 =	sshrl.u32 s17, $0x2;
	v4 =	vld [tilespmem:s19+$0xFFFFFFE0]  }
0x3d: {  	v5 =	vld [tilespmem:s19+$0xFFFFFFF0];
	s18 =	sor.u32 $0x8000, s17  }
0x3e: {  	s31 =	sand.u32 $0x1, s13;
	v1 =	vld [tilespmem:s19+$0x0];
	s20 =	sadd.s32 $0x0, s18  }
0x3f: {  	v2 =	vld [tilespmem:s19+$0x10];
	s17 =	smul.u32 $0x10200, s31;
	[tilespmem:s20+$0x3870 ss:$0x81] =	vst.msk $0xffff, v0  }
0x40: {  	[tilespmem:s20+$0x810 ss:$0x81] =	vst.msk $0xffff, v3;
	v3 =	vld [tilespmem:s19+$0x20]  }
0x41: {  	s17 =	sshrl.u32 s17, $0x2;
	v0 =	vld [tilespmem:s19+$0xFFFFFFC0];
	[tilespmem:s20+$0x1020 ss:$0x81] =	vst.msk $0xffff, v4;
	s19 =	sadd.s32 $0x80, s19  }
0x42: {  	s21 =	simm.s32 $0x4;
	s22 =	simm.s32 $0x8;
	s17 =	sor.u32 $0x8000, s17;
	[tilespmem:s20+$0x1830 ss:$0x81] =	vst.msk $0xffff, v5;
	v4 =	vld [tilespmem:s19+$0x30]  }
.LBB1_3:
0x43: {  	p1 =	sne.s32 s22, $0x1FC;
	v5 =	vld [tilespmem:s19+$0xFFFFFFD0];
	[tilespmem:s20+$0x2040 ss:$0x81] =	vst.msk $0xffff, v1  }
0x44: {  	v6 =	vld [tilespmem:s19+$0xFFFFFFE0];
	[tilespmem:s20+$0x2850 ss:$0x81] =	vst.msk $0xffff, v2  }
0x45: {  	s23 =	sshra.s32 s21, $0x2;
	s21 =	smov.u32 s22;
	v7 =	vld [tilespmem:s19+$0xFFFFFFF0];
	[tilespmem:s20+$0x3060 ss:$0x81] =	vst.msk $0xffff, v3  }
.Ltmp3:
0x46: {  	v1 =	vld [tilespmem:s19+$0x0];
	[tilespmem:s20+$0x0 ss:$0x81] =	vst.msk $0xffff, v0;
	s20 =	sadd.s32 s23, s18;
	(pc) =	sbr.rel @p1 .LBB1_3-.Ltmp3, $4  }
0x47: {  	v2 =	vld [tilespmem:s19+$0x10];
	[tilespmem:s20+$0x3870 ss:$0x81] =	vst.msk $0xffff, v4  }
0x48: {  	[tilespmem:s20+$0x810 ss:$0x81] =	vst.msk $0xffff, v5;
	v3 =	vld [tilespmem:s19+$0x20]  }
0x49: {  	v0 =	vld [tilespmem:s19+$0xFFFFFFC0];
	[tilespmem:s20+$0x1020 ss:$0x81] =	vst.msk $0xffff, v6;
	s19 =	sadd.s32 $0x80, s19  }
0x4a: {  	s22 =	sadd.s32 $0x4, s22;
	v4 =	vld [tilespmem:s19+$0x30];
	[tilespmem:s20+$0x1830 ss:$0x81] =	vst.msk $0xffff, v7  }
.Ltmp4:
0x4b: {  	_ = 	snop;
	(pc) =	sbr.rel .LBB1_4-.Ltmp4, $1  }
0x4c: {  	_ =	sdelay $0x3  }
.LBB1_6:
0x4d: {  	_ =	sfence.sel $0x180000  }
0x4e: {  	s1 =	simm.s32 $0x1;
	[bflag:$0x0] =	sbarrier.arrive $0xFFFF  }
0x4f: {  	s31 =	simm.s32 $0x2;
	[sflag:s1] =	ssyncpa.u1 $0x1  }
0x50: {  	[sflag:s31] =	ssyncpa.u1 $0x1  }
0x51: {  	p0 =	sne.s32 s0, $0x0;
	_ =	strace $0x90000047  }
0x52: {  	s0 =	sadd.s32 @!p0 $0x100000, s3;
	[bflag:$0x2] =	sbarrier.arrive $0xFFFF  }
0x53: {  	[sflag:s0] =	ssyncadd.tile.s32 @!p0 $0x1;
	_ =	shalt  }
.Lfunc_end1:
_tile_overlayer_lowered:
.L_overlay_start_2:
0x54: {  	(tag) =	ssettag $0x2  }
0x55: {  	s0 =	rddreg [dreg:$0x0];
	s2 =	stileid.u32  }
0x56: {  	s1 =	rddreg [dreg:$0x1];
	p0 =	sne.s32 s2, $0x0  }
0x57: {  	s3 =	rddreg [dreg:$0x2];
	[bflag:$0x3] =	sbarrier.arrive $0xFFFF;
	s2 =	simm.s32 @!p0 $0x1C01  }
0x58: {  	[timem:s3], [sflag:s2] =	dma.local @!p0 [hbm:s0], s1  }
0x59: {  	s0 =	simm.s32 @!p0 $0x1  }
0x5a: {  	_ =	swait.ge @!p0 [sflag:s0], s1  }
0x5b: {  	s1 =	ssub.s32 @!p0 $0x0, s1;
	[sflag:s0] =	ssyncset.done @!p0 $0x0  }
0x5c: {  	[sflag:s0] =	ssyncadd.s32 @!p0 s1  }
0x5d: {  	[bflag:$0x3] =	sbarrier.arrive $0xFFFF  }
0x5e: {  	_ =	shalt  }

</sc_bundles>
